<compile_context>
chip_gen: v7x
topology: tpu7x:2x2x1
jax: 0.10.2.dev20260603
libtpu: 0.0.44.dev20260713+nightly
codegen_flags: <defaults>
</compile_context>

<pallas_src>
import functools

import jax
import jax.numpy as jnp
from jax import lax
from jax.experimental import pallas as pl
from jax.experimental.pallas import tpu as pltpu
from jax.experimental.pallas import tpu_sc as plsc

B, N, K = 64, 32768, 512
NC, NS, L = 2, 16, 16
NW = NC * NS
RW = B // NW
NEG = -1000000000.0

_mesh = plsc.VectorSubcoreMesh(core_axis_name="c", subcore_axis_name="s")


@functools.partial(
    pl.kernel,
    mesh=_mesh,
    out_type=jax.ShapeDtypeStruct((B, N), jnp.float32),
    scratch_types=[
        pltpu.VMEM((RW, N), jnp.float32),
        pltpu.VMEM((1, N), jnp.float32),
        pltpu.VMEM((RW, K), jnp.int32),
        pltpu.SemaphoreType.DMA,
        pltpu.SemaphoreType.DMA,
        pltpu.SemaphoreType.DMA,
        pltpu.SemaphoreType.DMA,
    ],
    compiler_params=pltpu.CompilerParams(needs_layout_passes=False),
)
def _filter_moves(x_hbm, mv_hbm, out_hbm, obuf, xrow, idx,
                  semi, semx, semo0, semo1):
    wid = lax.axis_index("s") * NC + lax.axis_index("c")
    row0 = wid * RW
    neg = jnp.full((L,), NEG, jnp.float32)
    z = jnp.full((L,), 0, jnp.int32)
    semo = [semo0, semo1]

    icopy = pltpu.async_copy(mv_hbm.at[pl.ds(row0, RW)], idx, semi)
    xcopy = pltpu.async_copy(x_hbm.at[row0], xrow.at[0], semx)

    def make_fill(r):
        def fill(i, _):
            base = i * (8 * L)
            for j in range(8):
                obuf[r, pl.ds(base + j * L, L)] = neg
            return 0
        return fill

    ocopies = []
    for r in range(RW):
        rv = jnp.full((L,), r, jnp.int32)
        lax.fori_loop(0, N // (8 * L), make_fill(r), 0)
        if r == 0:
            icopy.wait()
        xcopy.wait()

        def scat(c, _):
            iv = idx[r, pl.ds(c * L, L)]
            v = plsc.load_gather(xrow, [z, iv])
            v = jnp.where(v == 0.0, jnp.float32(NEG), v)
            plsc.store_scatter(obuf, [rv, iv], v)
            return 0

        lax.fori_loop(0, K // L, scat, 0)
        ocopies.append(
            pltpu.async_copy(obuf.at[r], out_hbm.at[row0 + r], semo[r]))
        if r + 1 < RW:
            xcopy = pltpu.async_copy(x_hbm.at[row0 + r + 1], xrow.at[0], semx)
    for cp in ocopies:
        cp.wait()


def kernel(x, possible_moves):
    return _filter_moves(x, possible_moves.astype(jnp.int32))

# --- scband reference (transcript-rebuilt; emitter-appended) ---
"""Pipeline reference for scband-filter-legal-moves-16475494548159 (READ-ONLY COPY).

The authoritative reference and input builder live on the scoring server;
editing this copy changes nothing except your own understanding.
"""

import jax, jax.numpy as jnp
import numpy as np

B, N, K = 64, 32768, 512

def setup_inputs(seed: int = 0) -> dict:
    key = jax.random.key(seed)
    k1, k2 = jax.random.split(key)
    x = jax.random.normal(k1, (B, N), dtype=jnp.float32)
    possible_moves = jax.random.randint(k2, (B, K), 0, N, dtype=jnp.int64 if jax.config.jax_enable_x64 else jnp.int32)
    return {"x": x, "possible_moves": possible_moves}

def reference(x, possible_moves):
    # mask[i, possible_moves[i]] = 1  (scatter-overwrite)
    rows = jnp.arange(x.shape[0])[:, None]
    mask = jnp.zeros(x.shape, dtype=x.dtype).at[rows, possible_moves].set(1.0)
    actions = x * mask
    # actions[actions == 0] = -1e9
    actions = jnp.where(actions == 0, jnp.float32(-1000000000.0), actions)
    return actions

if __name__ == "__main__":
    import jax
    _d = setup_inputs()
    print(jax.jit(kernel)(*tuple(_d.values())))

</pallas_src>

<mosaic_0001>
#map = affine_map<(d0, d1) -> (0, 0)>
module attributes {stable_mosaic.version = 14 : i64} {
  func.func @_filter_moves(%arg0: i32, %arg1: i32, %arg2: memref<64x32768xf32, #tpu.memory_space<hbm>>, %arg3: memref<64x512xi32, #tpu.memory_space<hbm>>, %arg4: memref<64x32768xf32, #tpu.memory_space<hbm>>, %arg5: memref<2x32768xf32, #tpu.memory_space<vmem>>, %arg6: memref<1x32768xf32, #tpu.memory_space<vmem>>, %arg7: memref<2x512xi32, #tpu.memory_space<vmem>>, %arg8: memref<!tpu.dma_semaphore, #tpu.memory_space<semaphore_mem>>, %arg9: memref<!tpu.dma_semaphore, #tpu.memory_space<semaphore_mem>>, %arg10: memref<!tpu.dma_semaphore, #tpu.memory_space<semaphore_mem>>, %arg11: memref<!tpu.dma_semaphore, #tpu.memory_space<semaphore_mem>>) attributes {dimension_semantics = [#tpu.dimension_semantics<core_parallel>, #tpu.dimension_semantics<subcore_parallel>], iteration_bounds = array<i64: 2, 16>, scalar_prefetch = 0 : i64, scratch_operands = 7 : i64, tpu.core_type = #tpu.core_type<sc_vector_subcore>, window_params = [{transform_indices = #map}, {transform_indices = #map}, {transform_indices = #map}]} {
    %mul3A = arith.constant 2 : i32
    %mul3A_0 = arith.muli %arg1, %mul3A : i32
    %add3A = arith.addi %mul3A_0, %arg0 : i32
    %mul3A_1 = arith.constant 2 : i32
    %mul3A_2 = arith.muli %add3A, %mul3A_1 : i32
    %broadcast_in_dim3A = arith.constant -1.000000e+09 : f32
    %broadcast_in_dim3A_3 = vector.broadcast %broadcast_in_dim3A : f32 to vector<16xf32>
    %broadcast_in_dim3A_4 = arith.constant 0 : i32
    %broadcast_in_dim3A_5 = vector.broadcast %broadcast_in_dim3A_4 : i32 to vector<16xi32>
    %dma_start3A = arith.constant 0 : i32
    %dma_start3A_6 = tpu.memref_slice %arg3[%mul3A_2, %dma_start3A] : memref<64x512xi32, #tpu.memory_space<hbm>> -> memref<2x512xi32, #tpu.memory_space<hbm>>
    %dma_start3A_7 = arith.constant 0 : i32
    %dma_start3A_8 = tpu.memref_slice %arg3[%mul3A_2, %dma_start3A_7] : memref<64x512xi32, #tpu.memory_space<hbm>> -> memref<2x512xi32, #tpu.memory_space<hbm>>
    tpu.enqueue_dma source(%dma_start3A_8 : memref<2x512xi32, #tpu.memory_space<hbm>>) target(%arg7 : memref<2x512xi32, #tpu.memory_space<vmem>>) target_semaphore(%arg8 : memref<!tpu.dma_semaphore, #tpu.memory_space<semaphore_mem>>)
    %dma_start3A_9 = arith.constant 0 : i32
    %dma_start3A_10 = arith.constant 0 : i32
    %dma_start3A_11 = tpu.memref_slice %arg6[%dma_start3A_9, %dma_start3A_10] : memref<1x32768xf32, #tpu.memory_space<vmem>> -> memref<1x32768xf32, #tpu.memory_space<vmem>>
    %dma_start3A_12 = tpu.memref_squeeze %dma_start3A_11 : memref<1x32768xf32, #tpu.memory_space<vmem>> -> memref<32768xf32, #tpu.memory_space<vmem>>
    %dma_start3A_13 = arith.constant 0 : i32
    %dma_start3A_14 = tpu.memref_slice %arg2[%mul3A_2, %dma_start3A_13] : memref<64x32768xf32, #tpu.memory_space<hbm>> -> memref<1x32768xf32, #tpu.memory_space<hbm>>
    %dma_start3A_15 = tpu.memref_squeeze %dma_start3A_14 : memref<1x32768xf32, #tpu.memory_space<hbm>> -> memref<32768xf32, #tpu.memory_space<hbm>>
    %dma_start3A_16 = arith.constant 0 : i32
    %dma_start3A_17 = tpu.memref_slice %arg6[%dma_start3A_9, %dma_start3A_16] : memref<1x32768xf32, #tpu.memory_space<vmem>> -> memref<1x32768xf32, #tpu.memory_space<vmem>>
    %dma_start3A_18 = tpu.memref_squeeze %dma_start3A_17 : memref<1x32768xf32, #tpu.memory_space<vmem>> -> memref<32768xf32, #tpu.memory_space<vmem>>
    %dma_start3A_19 = arith.constant 0 : i32
    %dma_start3A_20 = tpu.memref_slice %arg2[%mul3A_2, %dma_start3A_19] : memref<64x32768xf32, #tpu.memory_space<hbm>> -> memref<1x32768xf32, #tpu.memory_space<hbm>>
    %dma_start3A_21 = tpu.memref_squeeze %dma_start3A_20 : memref<1x32768xf32, #tpu.memory_space<hbm>> -> memref<32768xf32, #tpu.memory_space<hbm>>
    tpu.enqueue_dma source(%dma_start3A_21 : memref<32768xf32, #tpu.memory_space<hbm>>) target(%dma_start3A_18 : memref<32768xf32, #tpu.memory_space<vmem>>) target_semaphore(%arg9 : memref<!tpu.dma_semaphore, #tpu.memory_space<semaphore_mem>>)
    %broadcast_in_dim3A_22 = arith.constant 0 : i32
    %broadcast_in_dim3A_23 = vector.broadcast %broadcast_in_dim3A_22 : i32 to vector<16xi32>
    %scan3A = arith.constant 0 : i32
    %scan3A_24 = arith.constant 0 : i32
    %scan3A_25 = arith.constant 256 : i32
    %scan3A_26 = arith.addi %scan3A_24, %scan3A_25 : i32
    %scan3A_27 = arith.constant 1 : i32
    %scan3A_28 = scf.for %scan3A_155 = %scan3A_24 to %scan3A_26 step %scan3A_27 iter_args(%scan3A_156 = %scan3A) -> (i32)  : i32 {
      %mul3A_157 = arith.constant 128 : i32
      %mul3A_158 = arith.muli %scan3A_155, %mul3A_157 : i32
      %add3A_159 = arith.constant 0 : i32
      %add3A_160 = arith.addi %mul3A_158, %add3A_159 : i32
      %swap3A = arith.constant 0 : i32
      %swap3A_161 = arith.index_cast %swap3A : i32 to index
      %swap3A_162 = arith.index_cast %add3A_160 : i32 to index
      %swap3A_163 = tpu.vector_load %arg5[%swap3A_161, %swap3A_162] {strides = array<i32>} : memref<2x32768xf32, #tpu.memory_space<vmem>>, vector<16xf32>,
      tpu.vector_store %arg5[%swap3A_161, %swap3A_162], %broadcast_in_dim3A_3 {strides = array<i32>} : memref<2x32768xf32, #tpu.memory_space<vmem>>, vector<16xf32>,
      %add3A_164 = arith.constant 16 : i32
      %add3A_165 = arith.addi %mul3A_158, %add3A_164 : i32
      %swap3A_166 = arith.constant 0 : i32
      %swap3A_167 = arith.index_cast %swap3A_166 : i32 to index
      %swap3A_168 = arith.index_cast %add3A_165 : i32 to index
      %swap3A_169 = tpu.vector_load %arg5[%swap3A_167, %swap3A_168] {strides = array<i32>} : memref<2x32768xf32, #tpu.memory_space<vmem>>, vector<16xf32>,
      tpu.vector_store %arg5[%swap3A_167, %swap3A_168], %broadcast_in_dim3A_3 {strides = array<i32>} : memref<2x32768xf32, #tpu.memory_space<vmem>>, vector<16xf32>,
      %add3A_170 = arith.constant 32 : i32
      %add3A_171 = arith.addi %mul3A_158, %add3A_170 : i32
      %swap3A_172 = arith.constant 0 : i32
      %swap3A_173 = arith.index_cast %swap3A_172 : i32 to index
      %swap3A_174 = arith.index_cast %add3A_171 : i32 to index
      %swap3A_175 = tpu.vector_load %arg5[%swap3A_173, %swap3A_174] {strides = array<i32>} : memref<2x32768xf32, #tpu.memory_space<vmem>>, vector<16xf32>,
      tpu.vector_store %arg5[%swap3A_173, %swap3A_174], %broadcast_in_dim3A_3 {strides = array<i32>} : memref<2x32768xf32, #tpu.memory_space<vmem>>, vector<16xf32>,
      %add3A_176 = arith.constant 48 : i32
      %add3A_177 = arith.addi %mul3A_158, %add3A_176 : i32
      %swap3A_178 = arith.constant 0 : i32
      %swap3A_179 = arith.index_cast %swap3A_178 : i32 to index
      %swap3A_180 = arith.index_cast %add3A_177 : i32 to index
      %swap3A_181 = tpu.vector_load %arg5[%swap3A_179, %swap3A_180] {strides = array<i32>} : memref<2x32768xf32, #tpu.memory_space<vmem>>, vector<16xf32>,
      tpu.vector_store %arg5[%swap3A_179, %swap3A_180], %broadcast_in_dim3A_3 {strides = array<i32>} : memref<2x32768xf32, #tpu.memory_space<vmem>>, vector<16xf32>,
      %add3A_182 = arith.constant 64 : i32
      %add3A_183 = arith.addi %mul3A_158, %add3A_182 : i32
      %swap3A_184 = arith.constant 0 : i32
      %swap3A_185 = arith.index_cast %swap3A_184 : i32 to index
      %swap3A_186 = arith.index_cast %add3A_183 : i32 to index
      %swap3A_187 = tpu.vector_load %arg5[%swap3A_185, %swap3A_186] {strides = array<i32>} : memref<2x32768xf32, #tpu.memory_space<vmem>>, vector<16xf32>,
      tpu.vector_store %arg5[%swap3A_185, %swap3A_186], %broadcast_in_dim3A_3 {strides = array<i32>} : memref<2x32768xf32, #tpu.memory_space<vmem>>, vector<16xf32>,
      %add3A_188 = arith.constant 80 : i32
      %add3A_189 = arith.addi %mul3A_158, %add3A_188 : i32
      %swap3A_190 = arith.constant 0 : i32
      %swap3A_191 = arith.index_cast %swap3A_190 : i32 to index
      %swap3A_192 = arith.index_cast %add3A_189 : i32 to index
      %swap3A_193 = tpu.vector_load %arg5[%swap3A_191, %swap3A_192] {strides = array<i32>} : memref<2x32768xf32, #tpu.memory_space<vmem>>, vector<16xf32>,
      tpu.vector_store %arg5[%swap3A_191, %swap3A_192], %broadcast_in_dim3A_3 {strides = array<i32>} : memref<2x32768xf32, #tpu.memory_space<vmem>>, vector<16xf32>,
      %add3A_194 = arith.constant 96 : i32
      %add3A_195 = arith.addi %mul3A_158, %add3A_194 : i32
      %swap3A_196 = arith.constant 0 : i32
      %swap3A_197 = arith.index_cast %swap3A_196 : i32 to index
      %swap3A_198 = arith.index_cast %add3A_195 : i32 to index
      %swap3A_199 = tpu.vector_load %arg5[%swap3A_197, %swap3A_198] {strides = array<i32>} : memref<2x32768xf32, #tpu.memory_space<vmem>>, vector<16xf32>,
      tpu.vector_store %arg5[%swap3A_197, %swap3A_198], %broadcast_in_dim3A_3 {strides = array<i32>} : memref<2x32768xf32, #tpu.memory_space<vmem>>, vector<16xf32>,
      %add3A_200 = arith.constant 112 : i32
      %add3A_201 = arith.addi %mul3A_158, %add3A_200 : i32
      %swap3A_202 = arith.constant 0 : i32
      %swap3A_203 = arith.index_cast %swap3A_202 : i32 to index
      %swap3A_204 = arith.index_cast %add3A_201 : i32 to index
      %swap3A_205 = tpu.vector_load %arg5[%swap3A_203, %swap3A_204] {strides = array<i32>} : memref<2x32768xf32, #tpu.memory_space<vmem>>, vector<16xf32>,
      tpu.vector_store %arg5[%swap3A_203, %swap3A_204], %broadcast_in_dim3A_3 {strides = array<i32>} : memref<2x32768xf32, #tpu.memory_space<vmem>>, vector<16xf32>,
      %scan3A_206 = arith.constant 0 : i32
      scf.yield %scan3A_206 : i32
    }
    %scan3A_29 = arith.constant 256 : i32
    %dma_wait3A = arith.constant 0 : i32
    %dma_wait3A_30 = tpu.memref_slice %arg3[%mul3A_2, %dma_wait3A] : memref<64x512xi32, #tpu.memory_space<hbm>> -> memref<2x512xi32, #tpu.memory_space<hbm>>
    %dma_wait3A_31 = arith.constant 0 : i32
    %dma_wait3A_32 = tpu.memref_slice %arg3[%mul3A_2, %dma_wait3A_31] : memref<64x512xi32, #tpu.memory_space<hbm>> -> memref<2x512xi32, #tpu.memory_space<hbm>>
    tpu.wait_dma2 semaphore(%arg8 : memref<!tpu.dma_semaphore, #tpu.memory_space<semaphore_mem>>) src(%dma_wait3A_32 : memref<2x512xi32, #tpu.memory_space<hbm>>) dst(%arg7 : memref<2x512xi32, #tpu.memory_space<vmem>>)
    %dma_wait3A_33 = arith.constant 0 : i32
    %dma_wait3A_34 = arith.constant 0 : i32
    %dma_wait3A_35 = tpu.memref_slice %arg6[%dma_wait3A_33, %dma_wait3A_34] : memref<1x32768xf32, #tpu.memory_space<vmem>> -> memref<1x32768xf32, #tpu.memory_space<vmem>>
    %dma_wait3A_36 = tpu.memref_squeeze %dma_wait3A_35 : memref<1x32768xf32, #tpu.memory_space<vmem>> -> memref<32768xf32, #tpu.memory_space<vmem>>
    %dma_wait3A_37 = arith.constant 0 : i32
    %dma_wait3A_38 = tpu.memref_slice %arg2[%mul3A_2, %dma_wait3A_37] : memref<64x32768xf32, #tpu.memory_space<hbm>> -> memref<1x32768xf32, #tpu.memory_space<hbm>>
    %dma_wait3A_39 = tpu.memref_squeeze %dma_wait3A_38 : memref<1x32768xf32, #tpu.memory_space<hbm>> -> memref<32768xf32, #tpu.memory_space<hbm>>
    %dma_wait3A_40 = arith.constant 0 : i32
    %dma_wait3A_41 = tpu.memref_slice %arg6[%dma_wait3A_33, %dma_wait3A_40] : memref<1x32768xf32, #tpu.memory_space<vmem>> -> memref<1x32768xf32, #tpu.memory_space<vmem>>
    %dma_wait3A_42 = tpu.memref_squeeze %dma_wait3A_41 : memref<1x32768xf32, #tpu.memory_space<vmem>> -> memref<32768xf32, #tpu.memory_space<vmem>>
    %dma_wait3A_43 = arith.constant 0 : i32
    %dma_wait3A_44 = tpu.memref_slice %arg2[%mul3A_2, %dma_wait3A_43] : memref<64x32768xf32, #tpu.memory_space<hbm>> -> memref<1x32768xf32, #tpu.memory_space<hbm>>
    %dma_wait3A_45 = tpu.memref_squeeze %dma_wait3A_44 : memref<1x32768xf32, #tpu.memory_space<hbm>> -> memref<32768xf32, #tpu.memory_space<hbm>>
    tpu.wait_dma2 semaphore(%arg9 : memref<!tpu.dma_semaphore, #tpu.memory_space<semaphore_mem>>) src(%dma_wait3A_45 : memref<32768xf32, #tpu.memory_space<hbm>>) dst(%dma_wait3A_42 : memref<32768xf32, #tpu.memory_space<vmem>>)
    %scan3A_46 = arith.constant 0 : i32
    %scan3A_47 = arith.constant 0 : i32
    %scan3A_48 = arith.constant 32 : i32
    %scan3A_49 = arith.addi %scan3A_47, %scan3A_48 : i32
    %scan3A_50 = arith.constant 1 : i32
    %scan3A_51 = scf.for %scan3A_155 = %scan3A_47 to %scan3A_49 step %scan3A_50 iter_args(%scan3A_156 = %scan3A_46) -> (i32)  : i32 {
      %mul3A_157 = arith.constant 16 : i32
      %mul3A_158 = arith.muli %scan3A_155, %mul3A_157 : i32
      %get3A = arith.constant 0 : i32
      %get3A_159 = arith.index_cast %get3A : i32 to index
      %get3A_160 = arith.index_cast %mul3A_158 : i32 to index
      %get3A_161 = tpu.vector_load %arg7[%get3A_159, %get3A_160] {strides = array<i32>} : memref<2x512xi32, #tpu.memory_space<vmem>>, vector<16xi32>,
      %gather3A = tpu.vector_load_idx %arg6[%broadcast_in_dim3A_5, %get3A_161] : memref<1x32768xf32, #tpu.memory_space<vmem>>[vector<16xi32>, vector<16xi32>], vector<16xf32>,
      %eq3A = arith.constant 0.000000e+00 : f32
      %eq3A_162 = vector.broadcast %eq3A : f32 to vector<16xf32>
      %eq3A_163 = arith.cmpf oeq, %gather3A, %eq3A_162 : vector<16xf32>
      %jit3A = arith.constant -1.000000e+09 : f32
      %broadcast_in_dim3A_164 = vector.broadcast %jit3A : f32 to vector<16xf32>
      %select_n3A = arith.select %eq3A_163, %broadcast_in_dim3A_164, %gather3A : vector<16xi1>, vector<16xf32>
      tpu.vector_store_idx %arg5[%broadcast_in_dim3A_23, %get3A_161], %select_n3A : memref<2x32768xf32, #tpu.memory_space<vmem>>[vector<16xi32>, vector<16xi32>], vector<16xf32>,
      %scan3A_165 = arith.constant 0 : i32
      scf.yield %scan3A_165 : i32
    }
    %scan3A_52 = arith.constant 32 : i32
    %add3A_53 = arith.constant 0 : i32
    %add3A_54 = arith.addi %mul3A_2, %add3A_53 : i32
    %dma_start3A_55 = arith.constant 0 : i32
    %dma_start3A_56 = arith.constant 0 : i32
    %dma_start3A_57 = tpu.memref_slice %arg5[%dma_start3A_55, %dma_start3A_56] : memref<2x32768xf32, #tpu.memory_space<vmem>> -> memref<1x32768xf32, #tpu.memory_space<vmem>>
    %dma_start3A_58 = tpu.memref_squeeze %dma_start3A_57 : memref<1x32768xf32, #tpu.memory_space<vmem>> -> memref<32768xf32, #tpu.memory_space<vmem>>
    %dma_start3A_59 = arith.constant 0 : i32
    %dma_start3A_60 = tpu.memref_slice %arg4[%add3A_54, %dma_start3A_59] : memref<64x32768xf32, #tpu.memory_space<hbm>> -> memref<1x32768xf32, #tpu.memory_space<hbm>>
    %dma_start3A_61 = tpu.memref_squeeze %dma_start3A_60 : memref<1x32768xf32, #tpu.memory_space<hbm>> -> memref<32768xf32, #tpu.memory_space<hbm>>
    %dma_start3A_62 = arith.constant 0 : i32
    %dma_start3A_63 = tpu.memref_slice %arg4[%add3A_54, %dma_start3A_62] : memref<64x32768xf32, #tpu.memory_space<hbm>> -> memref<1x32768xf32, #tpu.memory_space<hbm>>
    %dma_start3A_64 = tpu.memref_squeeze %dma_start3A_63 : memref<1x32768xf32, #tpu.memory_space<hbm>> -> memref<32768xf32, #tpu.memory_space<hbm>>
    %dma_start3A_65 = arith.constant 0 : i32
    %dma_start3A_66 = tpu.memref_slice %arg5[%dma_start3A_55, %dma_start3A_65] : memref<2x32768xf32, #tpu.memory_space<vmem>> -> memref<1x32768xf32, #tpu.memory_space<vmem>>
    %dma_start3A_67 = tpu.memref_squeeze %dma_start3A_66 : memref<1x32768xf32, #tpu.memory_space<vmem>> -> memref<32768xf32, #tpu.memory_space<vmem>>
    tpu.enqueue_dma source(%dma_start3A_67 : memref<32768xf32, #tpu.memory_space<vmem>>) target(%dma_start3A_64 : memref<32768xf32, #tpu.memory_space<hbm>>) target_semaphore(%arg10 : memref<!tpu.dma_semaphore, #tpu.memory_space<semaphore_mem>>)
    %add3A_68 = arith.constant 0 : i32
    %add3A_69 = arith.addi %mul3A_2, %add3A_68 : i32
    %add3A_70 = arith.constant 1 : i32
    %add3A_71 = arith.addi %add3A_69, %add3A_70 : i32
    %dma_start3A_72 = arith.constant 0 : i32
    %dma_start3A_73 = arith.constant 0 : i32
    %dma_start3A_74 = tpu.memref_slice %arg6[%dma_start3A_72, %dma_start3A_73] : memref<1x32768xf32, #tpu.memory_space<vmem>> -> memref<1x32768xf32, #tpu.memory_space<vmem>>
    %dma_start3A_75 = tpu.memref_squeeze %dma_start3A_74 : memref<1x32768xf32, #tpu.memory_space<vmem>> -> memref<32768xf32, #tpu.memory_space<vmem>>
    %dma_start3A_76 = arith.constant 0 : i32
    %dma_start3A_77 = tpu.memref_slice %arg2[%add3A_71, %dma_start3A_76] : memref<64x32768xf32, #tpu.memory_space<hbm>> -> memref<1x32768xf32, #tpu.memory_space<hbm>>
    %dma_start3A_78 = tpu.memref_squeeze %dma_start3A_77 : memref<1x32768xf32, #tpu.memory_space<hbm>> -> memref<32768xf32, #tpu.memory_space<hbm>>
    %dma_start3A_79 = arith.constant 0 : i32
    %dma_start3A_80 = tpu.memref_slice %arg6[%dma_start3A_72, %dma_start3A_79] : memref<1x32768xf32, #tpu.memory_space<vmem>> -> memref<1x32768xf32, #tpu.memory_space<vmem>>
    %dma_start3A_81 = tpu.memref_squeeze %dma_start3A_80 : memref<1x32768xf32, #tpu.memory_space<vmem>> -> memref<32768xf32, #tpu.memory_space<vmem>>
    %dma_start3A_82 = arith.constant 0 : i32
    %dma_start3A_83 = tpu.memref_slice %arg2[%add3A_71, %dma_start3A_82] : memref<64x32768xf32, #tpu.memory_space<hbm>> -> memref<1x32768xf32, #tpu.memory_space<hbm>>
    %dma_start3A_84 = tpu.memref_squeeze %dma_start3A_83 : memref<1x32768xf32, #tpu.memory_space<hbm>> -> memref<32768xf32, #tpu.memory_space<hbm>>
    tpu.enqueue_dma source(%dma_start3A_84 : memref<32768xf32, #tpu.memory_space<hbm>>) target(%dma_start3A_81 : memref<32768xf32, #tpu.memory_space<vmem>>) target_semaphore(%arg9 : memref<!tpu.dma_semaphore, #tpu.memory_space<semaphore_mem>>)
    %broadcast_in_dim3A_85 = arith.constant 1 : i32
    %broadcast_in_dim3A_86 = vector.broadcast %broadcast_in_dim3A_85 : i32 to vector<16xi32>
    %scan3A_87 = arith.constant 0 : i32
    %scan3A_88 = arith.constant 0 : i32
    %scan3A_89 = arith.constant 256 : i32
    %scan3A_90 = arith.addi %scan3A_88, %scan3A_89 : i32
    %scan3A_91 = arith.constant 1 : i32
    %scan3A_92 = scf.for %scan3A_155 = %scan3A_88 to %scan3A_90 step %scan3A_91 iter_args(%scan3A_156 = %scan3A_87) -> (i32)  : i32 {
      %mul3A_157 = arith.constant 128 : i32
      %mul3A_158 = arith.muli %scan3A_155, %mul3A_157 : i32
      %add3A_159 = arith.constant 0 : i32
      %add3A_160 = arith.addi %mul3A_158, %add3A_159 : i32
      %swap3A = arith.constant 1 : i32
      %swap3A_161 = arith.index_cast %swap3A : i32 to index
      %swap3A_162 = arith.index_cast %add3A_160 : i32 to index
      %swap3A_163 = tpu.vector_load %arg5[%swap3A_161, %swap3A_162] {strides = array<i32>} : memref<2x32768xf32, #tpu.memory_space<vmem>>, vector<16xf32>,
      tpu.vector_store %arg5[%swap3A_161, %swap3A_162], %broadcast_in_dim3A_3 {strides = array<i32>} : memref<2x32768xf32, #tpu.memory_space<vmem>>, vector<16xf32>,
      %add3A_164 = arith.constant 16 : i32
      %add3A_165 = arith.addi %mul3A_158, %add3A_164 : i32
      %swap3A_166 = arith.constant 1 : i32
      %swap3A_167 = arith.index_cast %swap3A_166 : i32 to index
      %swap3A_168 = arith.index_cast %add3A_165 : i32 to index
      %swap3A_169 = tpu.vector_load %arg5[%swap3A_167, %swap3A_168] {strides = array<i32>} : memref<2x32768xf32, #tpu.memory_space<vmem>>, vector<16xf32>,
      tpu.vector_store %arg5[%swap3A_167, %swap3A_168], %broadcast_in_dim3A_3 {strides = array<i32>} : memref<2x32768xf32, #tpu.memory_space<vmem>>, vector<16xf32>,
      %add3A_170 = arith.constant 32 : i32
      %add3A_171 = arith.addi %mul3A_158, %add3A_170 : i32
      %swap3A_172 = arith.constant 1 : i32
      %swap3A_173 = arith.index_cast %swap3A_172 : i32 to index
      %swap3A_174 = arith.index_cast %add3A_171 : i32 to index
      %swap3A_175 = tpu.vector_load %arg5[%swap3A_173, %swap3A_174] {strides = array<i32>} : memref<2x32768xf32, #tpu.memory_space<vmem>>, vector<16xf32>,
      tpu.vector_store %arg5[%swap3A_173, %swap3A_174], %broadcast_in_dim3A_3 {strides = array<i32>} : memref<2x32768xf32, #tpu.memory_space<vmem>>, vector<16xf32>,
      %add3A_176 = arith.constant 48 : i32
      %add3A_177 = arith.addi %mul3A_158, %add3A_176 : i32
      %swap3A_178 = arith.constant 1 : i32
      %swap3A_179 = arith.index_cast %swap3A_178 : i32 to index
      %swap3A_180 = arith.index_cast %add3A_177 : i32 to index
      %swap3A_181 = tpu.vector_load %arg5[%swap3A_179, %swap3A_180] {strides = array<i32>} : memref<2x32768xf32, #tpu.memory_space<vmem>>, vector<16xf32>,
      tpu.vector_store %arg5[%swap3A_179, %swap3A_180], %broadcast_in_dim3A_3 {strides = array<i32>} : memref<2x32768xf32, #tpu.memory_space<vmem>>, vector<16xf32>,
      %add3A_182 = arith.constant 64 : i32
      %add3A_183 = arith.addi %mul3A_158, %add3A_182 : i32
      %swap3A_184 = arith.constant 1 : i32
      %swap3A_185 = arith.index_cast %swap3A_184 : i32 to index
      %swap3A_186 = arith.index_cast %add3A_183 : i32 to index
      %swap3A_187 = tpu.vector_load %arg5[%swap3A_185, %swap3A_186] {strides = array<i32>} : memref<2x32768xf32, #tpu.memory_space<vmem>>, vector<16xf32>,
      tpu.vector_store %arg5[%swap3A_185, %swap3A_186], %broadcast_in_dim3A_3 {strides = array<i32>} : memref<2x32768xf32, #tpu.memory_space<vmem>>, vector<16xf32>,
      %add3A_188 = arith.constant 80 : i32
      %add3A_189 = arith.addi %mul3A_158, %add3A_188 : i32
      %swap3A_190 = arith.constant 1 : i32
      %swap3A_191 = arith.index_cast %swap3A_190 : i32 to index
      %swap3A_192 = arith.index_cast %add3A_189 : i32 to index
      %swap3A_193 = tpu.vector_load %arg5[%swap3A_191, %swap3A_192] {strides = array<i32>} : memref<2x32768xf32, #tpu.memory_space<vmem>>, vector<16xf32>,
      tpu.vector_store %arg5[%swap3A_191, %swap3A_192], %broadcast_in_dim3A_3 {strides = array<i32>} : memref<2x32768xf32, #tpu.memory_space<vmem>>, vector<16xf32>,
      %add3A_194 = arith.constant 96 : i32
      %add3A_195 = arith.addi %mul3A_158, %add3A_194 : i32
      %swap3A_196 = arith.constant 1 : i32
      %swap3A_197 = arith.index_cast %swap3A_196 : i32 to index
      %swap3A_198 = arith.index_cast %add3A_195 : i32 to index
      %swap3A_199 = tpu.vector_load %arg5[%swap3A_197, %swap3A_198] {strides = array<i32>} : memref<2x32768xf32, #tpu.memory_space<vmem>>, vector<16xf32>,
      tpu.vector_store %arg5[%swap3A_197, %swap3A_198], %broadcast_in_dim3A_3 {strides = array<i32>} : memref<2x32768xf32, #tpu.memory_space<vmem>>, vector<16xf32>,
      %add3A_200 = arith.constant 112 : i32
      %add3A_201 = arith.addi %mul3A_158, %add3A_200 : i32
      %swap3A_202 = arith.constant 1 : i32
      %swap3A_203 = arith.index_cast %swap3A_202 : i32 to index
      %swap3A_204 = arith.index_cast %add3A_201 : i32 to index
      %swap3A_205 = tpu.vector_load %arg5[%swap3A_203, %swap3A_204] {strides = array<i32>} : memref<2x32768xf32, #tpu.memory_space<vmem>>, vector<16xf32>,
      tpu.vector_store %arg5[%swap3A_203, %swap3A_204], %broadcast_in_dim3A_3 {strides = array<i32>} : memref<2x32768xf32, #tpu.memory_space<vmem>>, vector<16xf32>,
      %scan3A_206 = arith.constant 0 : i32
      scf.yield %scan3A_206 : i32
    }
    %scan3A_93 = arith.constant 256 : i32
    %dma_wait3A_94 = arith.constant 0 : i32
    %dma_wait3A_95 = arith.constant 0 : i32
    %dma_wait3A_96 = tpu.memref_slice %arg6[%dma_wait3A_94, %dma_wait3A_95] : memref<1x32768xf32, #tpu.memory_space<vmem>> -> memref<1x32768xf32, #tpu.memory_space<vmem>>
    %dma_wait3A_97 = tpu.memref_squeeze %dma_wait3A_96 : memref<1x32768xf32, #tpu.memory_space<vmem>> -> memref<32768xf32, #tpu.memory_space<vmem>>
    %dma_wait3A_98 = arith.constant 0 : i32
    %dma_wait3A_99 = tpu.memref_slice %arg2[%add3A_71, %dma_wait3A_98] : memref<64x32768xf32, #tpu.memory_space<hbm>> -> memref<1x32768xf32, #tpu.memory_space<hbm>>
    %dma_wait3A_100 = tpu.memref_squeeze %dma_wait3A_99 : memref<1x32768xf32, #tpu.memory_space<hbm>> -> memref<32768xf32, #tpu.memory_space<hbm>>
    %dma_wait3A_101 = arith.constant 0 : i32
    %dma_wait3A_102 = tpu.memref_slice %arg6[%dma_wait3A_94, %dma_wait3A_101] : memref<1x32768xf32, #tpu.memory_space<vmem>> -> memref<1x32768xf32, #tpu.memory_space<vmem>>
    %dma_wait3A_103 = tpu.memref_squeeze %dma_wait3A_102 : memref<1x32768xf32, #tpu.memory_space<vmem>> -> memref<32768xf32, #tpu.memory_space<vmem>>
    %dma_wait3A_104 = arith.constant 0 : i32
    %dma_wait3A_105 = tpu.memref_slice %arg2[%add3A_71, %dma_wait3A_104] : memref<64x32768xf32, #tpu.memory_space<hbm>> -> memref<1x32768xf32, #tpu.memory_space<hbm>>
    %dma_wait3A_106 = tpu.memref_squeeze %dma_wait3A_105 : memref<1x32768xf32, #tpu.memory_space<hbm>> -> memref<32768xf32, #tpu.memory_space<hbm>>
    tpu.wait_dma2 semaphore(%arg9 : memref<!tpu.dma_semaphore, #tpu.memory_space<semaphore_mem>>) src(%dma_wait3A_106 : memref<32768xf32, #tpu.memory_space<hbm>>) dst(%dma_wait3A_103 : memref<32768xf32, #tpu.memory_space<vmem>>)
    %scan3A_107 = arith.constant 0 : i32
    %scan3A_108 = arith.constant 0 : i32
    %scan3A_109 = arith.constant 32 : i32
    %scan3A_110 = arith.addi %scan3A_108, %scan3A_109 : i32
    %scan3A_111 = arith.constant 1 : i32
    %scan3A_112 = scf.for %scan3A_155 = %scan3A_108 to %scan3A_110 step %scan3A_111 iter_args(%scan3A_156 = %scan3A_107) -> (i32)  : i32 {
      %mul3A_157 = arith.constant 16 : i32
      %mul3A_158 = arith.muli %scan3A_155, %mul3A_157 : i32
      %get3A = arith.constant 1 : i32
      %get3A_159 = arith.index_cast %get3A : i32 to index
      %get3A_160 = arith.index_cast %mul3A_158 : i32 to index
      %get3A_161 = tpu.vector_load %arg7[%get3A_159, %get3A_160] {strides = array<i32>} : memref<2x512xi32, #tpu.memory_space<vmem>>, vector<16xi32>,
      %gather3A = tpu.vector_load_idx %arg6[%broadcast_in_dim3A_5, %get3A_161] : memref<1x32768xf32, #tpu.memory_space<vmem>>[vector<16xi32>, vector<16xi32>], vector<16xf32>,
      %eq3A = arith.constant 0.000000e+00 : f32
      %eq3A_162 = vector.broadcast %eq3A : f32 to vector<16xf32>
      %eq3A_163 = arith.cmpf oeq, %gather3A, %eq3A_162 : vector<16xf32>
      %jit3A = arith.constant -1.000000e+09 : f32
      %broadcast_in_dim3A_164 = vector.broadcast %jit3A : f32 to vector<16xf32>
      %select_n3A = arith.select %eq3A_163, %broadcast_in_dim3A_164, %gather3A : vector<16xi1>, vector<16xf32>
      tpu.vector_store_idx %arg5[%broadcast_in_dim3A_86, %get3A_161], %select_n3A : memref<2x32768xf32, #tpu.memory_space<vmem>>[vector<16xi32>, vector<16xi32>], vector<16xf32>,
      %scan3A_165 = arith.constant 0 : i32
      scf.yield %scan3A_165 : i32
    }
    %scan3A_113 = arith.constant 32 : i32
    %add3A_114 = arith.constant 1 : i32
    %add3A_115 = arith.addi %mul3A_2, %add3A_114 : i32
    %dma_start3A_116 = arith.constant 1 : i32
    %dma_start3A_117 = arith.constant 0 : i32
    %dma_start3A_118 = tpu.memref_slice %arg5[%dma_start3A_116, %dma_start3A_117] : memref<2x32768xf32, #tpu.memory_space<vmem>> -> memref<1x32768xf32, #tpu.memory_space<vmem>>
    %dma_start3A_119 = tpu.memref_squeeze %dma_start3A_118 : memref<1x32768xf32, #tpu.memory_space<vmem>> -> memref<32768xf32, #tpu.memory_space<vmem>>
    %dma_start3A_120 = arith.constant 0 : i32
    %dma_start3A_121 = tpu.memref_slice %arg4[%add3A_115, %dma_start3A_120] : memref<64x32768xf32, #tpu.memory_space<hbm>> -> memref<1x32768xf32, #tpu.memory_space<hbm>>
    %dma_start3A_122 = tpu.memref_squeeze %dma_start3A_121 : memref<1x32768xf32, #tpu.memory_space<hbm>> -> memref<32768xf32, #tpu.memory_space<hbm>>
    %dma_start3A_123 = arith.constant 0 : i32
    %dma_start3A_124 = tpu.memref_slice %arg4[%add3A_115, %dma_start3A_123] : memref<64x32768xf32, #tpu.memory_space<hbm>> -> memref<1x32768xf32, #tpu.memory_space<hbm>>
    %dma_start3A_125 = tpu.memref_squeeze %dma_start3A_124 : memref<1x32768xf32, #tpu.memory_space<hbm>> -> memref<32768xf32, #tpu.memory_space<hbm>>
    %dma_start3A_126 = arith.constant 0 : i32
    %dma_start3A_127 = tpu.memref_slice %arg5[%dma_start3A_116, %dma_start3A_126] : memref<2x32768xf32, #tpu.memory_space<vmem>> -> memref<1x32768xf32, #tpu.memory_space<vmem>>
    %dma_start3A_128 = tpu.memref_squeeze %dma_start3A_127 : memref<1x32768xf32, #tpu.memory_space<vmem>> -> memref<32768xf32, #tpu.memory_space<vmem>>
    tpu.enqueue_dma source(%dma_start3A_128 : memref<32768xf32, #tpu.memory_space<vmem>>) target(%dma_start3A_125 : memref<32768xf32, #tpu.memory_space<hbm>>) target_semaphore(%arg11 : memref<!tpu.dma_semaphore, #tpu.memory_space<semaphore_mem>>)
    %dma_wait3A_129 = arith.constant 0 : i32
    %dma_wait3A_130 = arith.constant 0 : i32
    %dma_wait3A_131 = tpu.memref_slice %arg5[%dma_wait3A_129, %dma_wait3A_130] : memref<2x32768xf32, #tpu.memory_space<vmem>> -> memref<1x32768xf32, #tpu.memory_space<vmem>>
    %dma_wait3A_132 = tpu.memref_squeeze %dma_wait3A_131 : memref<1x32768xf32, #tpu.memory_space<vmem>> -> memref<32768xf32, #tpu.memory_space<vmem>>
    %dma_wait3A_133 = arith.constant 0 : i32
    %dma_wait3A_134 = tpu.memref_slice %arg4[%add3A_54, %dma_wait3A_133] : memref<64x32768xf32, #tpu.memory_space<hbm>> -> memref<1x32768xf32, #tpu.memory_space<hbm>>
    %dma_wait3A_135 = tpu.memref_squeeze %dma_wait3A_134 : memref<1x32768xf32, #tpu.memory_space<hbm>> -> memref<32768xf32, #tpu.memory_space<hbm>>
    %dma_wait3A_136 = arith.constant 0 : i32
    %dma_wait3A_137 = tpu.memref_slice %arg4[%add3A_54, %dma_wait3A_136] : memref<64x32768xf32, #tpu.memory_space<hbm>> -> memref<1x32768xf32, #tpu.memory_space<hbm>>
    %dma_wait3A_138 = tpu.memref_squeeze %dma_wait3A_137 : memref<1x32768xf32, #tpu.memory_space<hbm>> -> memref<32768xf32, #tpu.memory_space<hbm>>
    %dma_wait3A_139 = arith.constant 0 : i32
    %dma_wait3A_140 = tpu.memref_slice %arg5[%dma_wait3A_129, %dma_wait3A_139] : memref<2x32768xf32, #tpu.memory_space<vmem>> -> memref<1x32768xf32, #tpu.memory_space<vmem>>
    %dma_wait3A_141 = tpu.memref_squeeze %dma_wait3A_140 : memref<1x32768xf32, #tpu.memory_space<vmem>> -> memref<32768xf32, #tpu.memory_space<vmem>>
    tpu.wait_dma2 semaphore(%arg10 : memref<!tpu.dma_semaphore, #tpu.memory_space<semaphore_mem>>) src(%dma_wait3A_141 : memref<32768xf32, #tpu.memory_space<vmem>>) dst(%dma_wait3A_138 : memref<32768xf32, #tpu.memory_space<hbm>>)
    %dma_wait3A_142 = arith.constant 1 : i32
    %dma_wait3A_143 = arith.constant 0 : i32
    %dma_wait3A_144 = tpu.memref_slice %arg5[%dma_wait3A_142, %dma_wait3A_143] : memref<2x32768xf32, #tpu.memory_space<vmem>> -> memref<1x32768xf32, #tpu.memory_space<vmem>>
    %dma_wait3A_145 = tpu.memref_squeeze %dma_wait3A_144 : memref<1x32768xf32, #tpu.memory_space<vmem>> -> memref<32768xf32, #tpu.memory_space<vmem>>
    %dma_wait3A_146 = arith.constant 0 : i32
    %dma_wait3A_147 = tpu.memref_slice %arg4[%add3A_115, %dma_wait3A_146] : memref<64x32768xf32, #tpu.memory_space<hbm>> -> memref<1x32768xf32, #tpu.memory_space<hbm>>
    %dma_wait3A_148 = tpu.memref_squeeze %dma_wait3A_147 : memref<1x32768xf32, #tpu.memory_space<hbm>> -> memref<32768xf32, #tpu.memory_space<hbm>>
    %dma_wait3A_149 = arith.constant 0 : i32
    %dma_wait3A_150 = tpu.memref_slice %arg4[%add3A_115, %dma_wait3A_149] : memref<64x32768xf32, #tpu.memory_space<hbm>> -> memref<1x32768xf32, #tpu.memory_space<hbm>>
    %dma_wait3A_151 = tpu.memref_squeeze %dma_wait3A_150 : memref<1x32768xf32, #tpu.memory_space<hbm>> -> memref<32768xf32, #tpu.memory_space<hbm>>
    %dma_wait3A_152 = arith.constant 0 : i32
    %dma_wait3A_153 = tpu.memref_slice %arg5[%dma_wait3A_142, %dma_wait3A_152] : memref<2x32768xf32, #tpu.memory_space<vmem>> -> memref<1x32768xf32, #tpu.memory_space<vmem>>
    %dma_wait3A_154 = tpu.memref_squeeze %dma_wait3A_153 : memref<1x32768xf32, #tpu.memory_space<vmem>> -> memref<32768xf32, #tpu.memory_space<vmem>>
    tpu.wait_dma2 semaphore(%arg11 : memref<!tpu.dma_semaphore, #tpu.memory_space<semaphore_mem>>) src(%dma_wait3A_154 : memref<32768xf32, #tpu.memory_space<vmem>>) dst(%dma_wait3A_151 : memref<32768xf32, #tpu.memory_space<hbm>>)
    return
  }
}

</mosaic_0001>

<sc_bundles>
// kernel: kernel.3.cloned.1.call-start
scs
__scs_entry_jumppad:
0x0: {  	(pc) =	sbr.rel $0x88, $3  }
0x1: {  	(tag) =	ssettag $0x0;
	lr =	simm.s32 $0x1  }
0x2: {  	[smem:$0x3F9F] =	sst lr;
	_ =	strace $0xD0000000  }
0x3: {  	_ = 	snop  }
0x4: {  	_ = 	snop  }
0x5: {  	_ = 	snop  }
0x6: {  	_ = 	snop  }
0x7: {  	_ = 	snop  }
__scs_overlays_trampoline_lowered:
0x8: {  	[smem:$0x3FAE] =	sst s0  }
0x9: {  	[smem:$0x3FAF] =	sst s1  }
0xa: {  	[smem:$0x3FB0] =	sst s2  }
0xb: {  	[smem:$0x3FB1] =	sst s3  }
0xc: {  	[smem:$0x3FB2] =	sst s4  }
0xd: {  	[smem:$0x3FB3] =	sst s5  }
0xe: {  	[smem:$0x3FB4] =	sst s6  }
0xf: {  	[smem:$0x3FB5] =	sst s7  }
0x10: {  	[smem:$0x3FB6] =	sst s8  }
0x11: {  	[smem:$0x3FB7] =	sst s9;
	s0 =	simm.s32 @!p0 $0x0  }
0x12: {  	s1 =	sld [smem:$0x3F9D];
	s0 =	simm.s32 @p0 $0x1  }
0x13: {  	[smem:$0x3FB8] =	sst s0;
	s0 =	simm.s32 @!p1 $0x0  }
0x14: {  	s2 =	sld [smem:$0x3F9C];
	s0 =	simm.s32 @p1 $0x1  }
0x15: {  	[smem:$0x3FB9] =	sst s0;
	s0 =	simm.s32 @!p2 $0x0  }
0x16: {  	s3 =	sld [smem:$0x3FDB];
	s0 =	simm.s32 @p2 $0x1  }
0x17: {  	s4 =	simm.s32 $0x1BF5;
	[smem:$0x3FBB] =	sst s0  }
0x18: {  	s0 =	sld [smem:$0x3F9E];
	_ =	swait.ge [sflag:s4], $0x0  }
0x19: {  	s7 =	sld [smem:$0x3F9F]  }
0x1a: {  	s8 =	sadd.s32 $0xFFFFE003, lr  }
0x1b: {  	s9 =	sadd.s32 $0xFFFFFEF7, lr;
	s5 =	simm.s32 $0xFFFFFFFF;
	p2 =	slt.u32 s8, $0xFFFFF086  }
0x1c: {  	p1 =	slt.u32 s9, $0xF7A;
	s5 =	simm.s32 @!p2 $0x0  }
0x1d: {  	s5 =	simm.s32 @p1 $0x1;
	p0 =	seq.s32 s7, s2  }
0x1e: {  	s7 =	smul.u32 @!p0 $0xF7A, s2;
	p2 =	seq.s32 @!p0 s5, $0x0  }
0x1f: {  	s9 =	smul.u32 $0xF7A, s1;
	s8 =	simm.s32 @!p0 $0x1BF5;
	p2 =	por !p2, p0  }
0x20: {  	[sflag:s8] =	ssyncset.s32 @!p0 $0xFFFFF086;
	s6 =	sadd.s32 @!p0 s3, s7;
	s7 =	simm.s32 @!p0 $0x108  }
0x21: {  	s3 =	sadd.s32 s3, s9;
	s6 =	sadd.s32 @!p0 $0x88, s6;
	s7 =	simm.s32 @p2 $0x1082  }
0x22: {  	[simem:s7], [sflag:s8] =	dma.local @!p0 [hbm:s6], $0xF7A  }
0x23: {  	s9 =	sor.u32 $0xD0000000, s2;
	s6 =	simm.s32 $0x108;
	_ =	swait.ge @!p0 [sflag:s8], $0x0  }
0x24: {  	s3 =	sadd.s32 $0x88, s3;
	s6 =	simm.s32 @!p1 $0x1082;
	[sflag:s4] =	ssyncset.s32 $0xFFFFF086  }
0x25: {  	[simem:s6], [sflag:s4] =	dma.local [hbm:s3], $0xF7A  }
0x26: {  	[smem:$0x3F9F] =	sst s1;
	(tag) =	ssettag s2;
	_ =	strace s9  }
0x27: {  	s1 =	sld [smem:$0x3FAF]  }
0x28: {  	s2 =	sld [smem:$0x3FB0]  }
0x29: {  	s4 =	sld [smem:$0x3FB2]  }
0x2a: {  	p0 =	seq.s32 s5, $0x0;
	s5 =	sld [smem:$0x3FB3]  }
0x2b: {  	s6 =	sld [smem:$0x3FB4]  }
0x2c: {  	s7 =	sld [smem:$0x3FB5]  }
0x2d: {  	s3 =	simm.s32 $0x108;
	s8 =	sld [smem:$0x3FB6]  }
0x2e: {  	s3 =	simm.s32 @!p0 $0x1082;
	s9 =	sld [smem:$0x3FB7]  }
0x2f: {  	lr =	sadd.s32 s0, s3;
	s0 =	sld [smem:$0x3FAE]  }
0x30: {  	s3 =	sld [smem:$0x3FB1]  }
0x31: {  	[smem:$0x3FBA] =	sst s10  }
0x32: {  	s10 =	sld [smem:$0x3FB8];
	_ =	sdelay $0x3  }
0x33: {  	p0 =	seq.s32 s10, $0x1;
	s10 =	sld [smem:$0x3FBA];
	_ =	sdelay $0x3  }
0x34: {  	[smem:$0x3FBA] =	sst s10  }
0x35: {  	s10 =	sld [smem:$0x3FB9];
	_ =	sdelay $0x3  }
0x36: {  	p1 =	seq.s32 s10, $0x1;
	s10 =	sld [smem:$0x3FBA];
	_ =	sdelay $0x3  }
0x37: {  	[smem:$0x3FBA] =	sst s10  }
0x38: {  	s10 =	sld [smem:$0x3FBB]  }
0x39: {  	_ = 	snop;
	(pc) =	sbr.ind lr, $3  }
0x3a: {  	_ = 	snop  }
0x3b: {  	_ = 	snop  }
0x3c: {  	p2 =	seq.s32 s10, $0x1;
	s10 =	sld [smem:$0x3FBA]  }
0x3d: {  	_ =	shalt  }
0x3e: {  	_ =	shalt  }
0x3f: {  	_ =	shalt  }
0x40: {  	_ =	shalt  }
0x41: {  	_ =	shalt  }
0x42: {  	_ =	shalt  }
0x43: {  	_ =	shalt  }
0x44: {  	_ =	shalt  }
0x45: {  	_ =	shalt  }
0x46: {  	_ =	shalt  }
0x47: {  	_ =	shalt  }
0x48: {  	_ =	shalt  }
0x49: {  	_ =	shalt  }
0x4a: {  	_ =	shalt  }
0x4b: {  	_ =	shalt  }
0x4c: {  	_ =	shalt  }
0x4d: {  	_ =	shalt  }
0x4e: {  	_ =	shalt  }
0x4f: {  	_ =	shalt  }
0x50: {  	_ =	shalt  }
0x51: {  	_ =	shalt  }
0x52: {  	_ =	shalt  }
0x53: {  	_ =	shalt  }
0x54: {  	_ =	shalt  }
0x55: {  	_ =	shalt  }
0x56: {  	_ =	shalt  }
0x57: {  	_ =	shalt  }
0x58: {  	_ =	shalt  }
0x59: {  	_ =	shalt  }
0x5a: {  	_ =	shalt  }
0x5b: {  	_ =	shalt  }
0x5c: {  	_ =	shalt  }
0x5d: {  	_ =	shalt  }
0x5e: {  	_ =	shalt  }
0x5f: {  	_ =	shalt  }
0x60: {  	_ =	shalt  }
0x61: {  	_ =	shalt  }
0x62: {  	_ =	shalt  }
0x63: {  	_ =	shalt  }
0x64: {  	_ =	shalt  }
0x65: {  	_ =	shalt  }
0x66: {  	_ =	shalt  }
0x67: {  	_ =	shalt  }
0x68: {  	_ =	shalt  }
0x69: {  	_ =	shalt  }
0x6a: {  	_ =	shalt  }
0x6b: {  	_ =	shalt  }
0x6c: {  	_ =	shalt  }
0x6d: {  	_ =	shalt  }
0x6e: {  	_ =	shalt  }
0x6f: {  	_ =	shalt  }
0x70: {  	_ =	shalt  }
0x71: {  	_ =	shalt  }
0x72: {  	_ =	shalt  }
0x73: {  	_ =	shalt  }
0x74: {  	_ =	shalt  }
0x75: {  	_ =	shalt  }
0x76: {  	_ =	shalt  }
0x77: {  	_ =	shalt  }
0x78: {  	_ =	shalt  }
0x79: {  	_ =	shalt  }
0x7a: {  	_ =	shalt  }
0x7b: {  	_ =	shalt  }
0x7c: {  	_ =	shalt  }
0x7d: {  	_ =	shalt  }
0x7e: {  	_ =	shalt  }
0x7f: {  	_ =	shalt  }
0x80: {  	_ =	shalt  }
0x81: {  	_ =	shalt  }
0x82: {  	_ =	shalt  }
0x83: {  	_ =	shalt  }
0x84: {  	_ =	shalt  }
0x85: {  	_ =	shalt  }
0x86: {  	_ =	shalt  }
0x87: {  	_ =	shalt  }
.Lfunc_end0:
.L_simem_size_0:
called_computation_lowered:
.L_overlay_start_0:
0x88: {  	s2 =	sld [smem:$0x3FD9]  }
0x89: {  	s3 =	sld [smem:$0x3FFE];
	_ =	sdelay $0x1  }
0x8a: {  	s1 =	srdreg.scid  }
0x8b: {  	s0 =	sand.u32 $0x1, s1  }
0x8c: {  	s18 =	sshll.u32 s0, $0xA;
	s2 =	sadd.s32 s3, s2  }
0x8d: {  	s2 =	sadd.s32 s2, s18  }
0x8e: {  	[smem:$0x3FC6] =	sst s2  }
0x8f: {  	_ = 	snop  }
0x90: {  	s2 =	sld [smem:$0x3FC9]  }
0x91: {  	s19 =	sld [smem:$0x3FC8]  }
0x92: {  	s4 =	sld [smem:$0x3FD0];
	(tm) =	ssettm $0x1  }
0x93: {  	s5 =	sld [smem:$0x3FFB];
	_ =	sdelay $0x3  }
0x94: {  	_ =	strace s5  }
0x95: {  	s5 =	sld [smem:$0x3FFC];
	_ =	sdelay $0x3  }
0x96: {  	_ =	strace s5  }
0x97: {  	s5 =	sld [smem:$0x3FFD];
	_ =	sdelay $0x3  }
0x98: {  	_ =	strace s5  }
0x99: {  	_ =	strace $0x8FFFFFFF  }
0x9a: {  	s20 =	sld [smem:$0x3FDB];
	_ =	sdelay $0x1  }
0x9b: {  	s6 =	simm.s32 $_scs_section_size  }
0x9c: {  	s7 =	simm.s32 $_size__tile_overlayer_lowered;
	s8 =	simm.s32 $_tile_overlayer_lowered  }
0x9d: {  	s23 =	simm.s32 $0x1BFF;
	s22 =	sshll.u32 s8, $0x1;
	s5 =	sadd.s32 s6, s20  }
0x9e: {  	s9 =	simm.s32 $0x0;
	s21 =	sshll.u32 s7, $0x1;
	s7 =	sadd.s32 s22, s5  }
0x9f: {  	[timem:s9], [sflag:s23] =	dma.local [hbm:s7], s21  }
0xa0: {  	_ =	swait.ge [sflag:s23], s21  }
0xa1: {  	s6 =	ssub.s32 $0x0, s21;
	[sflag:s23] =	ssyncset.done $0x0  }
0xa2: {  	[sflag:s23] =	ssyncadd.s32 s6;
	_ =	sdelay $0x1  }
0xa3: {  	s24 =	simm.s32 $0x1B8B  }
0xa4: {  	_ =	swait.ge [sflag:s24], $0x1  }
0xa5: {  	[sflag:s24] =	ssyncset.done $0x0  }
0xa6: {  	s25 =	simm.s32 $0x1B8E;
	[sflag:s24] =	ssyncadd.s32 $0xFFFFFFFF  }
0xa7: {  	s26 =	simm.s32 $execute0_lowered;
	[smem:$0x3FD2] =	sst s25  }
0xa8: {  	s6 =	sshll.u32 s26, $0x1;
	_ =	strace $0x80000046;
	[dreg:$0x1] =	wrdreg $0xFFFFFFFF  }
0xa9: {  	s28 =	simm.s32 $_size_execute0_lowered;
	s5 =	sadd.s32 s5, s6;
	[dreg:$0x0] =	wrdreg $0x0  }
0xaa: {  	s6 =	sshll.u32 s28, $0x1;
	[dreg:$0x2] =	wrdreg s5  }
0xab: {  	[dreg:$0x3] =	wrdreg s6  }
0xac: {  	[dreg:$0x4] =	wrdreg $0xC0  }
0xad: {  	_ =	task [dreg:s9], $0x5FFFF  }
0xae: {  	[dreg:$0x1] =	wrdreg $0xFFFFFFFF  }
0xaf: {  	[dreg:$0x0] =	wrdreg $0x60  }
0xb0: {  	[dreg:$0x2] =	wrdreg s2  }
0xb1: {  	[dreg:$0x3] =	wrdreg s19  }
0xb2: {  	[dreg:$0x4] =	wrdreg s4  }
0xb3: {  	[dreg:$0x5] =	wrdreg $0x9  }
0xb4: {  	_ =	task.clear_ibuf [dreg:s9], $0x6FFFF;
	_ =	strace $0x90000046  }
0xb5: {  	s29 =	simm.s32 $0x9;
	_ =	strace $0x80000048  }
0xb6: {  	_ =	swait.ge [sflag:s29], $0x1  }
0xb7: {  	[sflag:s29] =	ssyncadd.s32 $0xFFFFFFFF  }
0xb8: {  	_ =	strace $0x90000048  }
0xb9: {  	_ =	sfence  }
0xba: {  	s30 =	sld [smem:$0x0];
	_ =	sdelay $0x2  }
0xbb: {  	s31 =	sshll.u32 s1, $0xD;
	s1 =	sshrl.u32 s1, $0x2  }
0xbc: {  	s3 =	sand.u32 $0x4000, s31;
	s1 =	sadd.s32 s1, s30  }
0xbd: {  	s0 =	sor.u32 s3, s0;
	s1 =	sshll.u32 s1, $0x11  }
0xbe: {  	s0 =	sor.u32 s1, s0  }
0xbf: {  	s0 =	sadd.s32 $0x8F2B, s0  }
0xc0: {  	[sflag:s0] =	ssyncadd.remote.s32 $0x1  }
0xc1: {  	_ =	sfence.sel $0xFFFF  }
0xc2: {  	[dreg:$0x0] =	wrdreg $0xFFFFFFFF;
	(pc) =	sbr.abs _section_cstart, $3  }
0xc3: {  	[dreg:$0x1] =	wrdreg $0xFFFFFFFF  }
0xc4: {  	_ =	task.clear_ibuf [dreg:s9], $0x2FFFF;
	_ =	strace $0x9FFFFFFF  }
0xc5: {  	(tm) =	ssettm $0x7FFFFFFF  }
tec
execute0_lowered:
.L_overlay_start_1:
0x0: {  	(tag) =	ssettag $0x1  }
0x1: {  	s6 =	rddreg [dreg:$0x0]  }
0x2: {  	s3 =	rddreg [dreg:$0x1]  }
0x3: {  	s7 =	rddreg [dreg:$0x2]  }
0x4: {  	s2 =	srdreg.scid;
	s0 =	rddreg [dreg:$0x3];
	s1 =	simm.s32 $0x0  }
0x5: {  	s12 =	simm.s32 $0x80;
	s13 =	simm.s32 $0x10000;
	s14 =	simm.s32 $0x1  }
0x6: {  	s15 =	simm.s32 $0x2;
	s16 =	simm.s32 $0x3;
	s17 =	simm.s32 $0x4  }
0x7: {  	s18 =	simm.s32 $0x0;
	s4 =	sand.u32 $0x1, s2;
	[smem:$0x7FF] =	sst s1  }
0x8: {  	s2 =	stileid.u32;
	s5 =	ssub.s32 $0x2, s4;
	_ =	strace $0x80000047  }
0x9: {  	s29 =	sshll.u32 s2, $0x11;
	s9 =	sshll.u32 s2, $0x9;
	s10 =	sshrl.u32 s2, $0x1  }
0xa: {  	s4 =	sshll.u32 s4, $0x8;
	s8 =	sshrl.u32 s5, $0x1;
	s9 =	sand.u32 $0x200, s9  }
0xb: {  	s11 =	sshll.u32 s10, $0xC;
	s10 =	sshll.u32 s10, $0x12;
	s4 =	sor.u32 s4, s9  }
0xc: {  	s8 =	ssub.s32 s5, s8;
	s5 =	sand.u32 $0x1C0000, s29;
	s9 =	sor.u32 s11, s4  }
0xd: {  	s5 =	sor.u32 s4, s5;
	s4 =	sor.u32 s10, s4;
	s8 =	smax.u32 s8, $0x1  }
0xe: {  	s10 =	simm.s32 $0x400;
	s11 =	simm.s32 $0x18000;
	s9 =	sshrl.u32 s9, $0x3  }
0xf: {  	s5 =	sshrl.u32 s5, $0x3;
	s30 =	sshrl.u32 s4, $0x3;
	s3 =	sadd.s32 s3, s9  }
0x10: {  	s31 =	sor.u32 $0x10, s5;
	s4 =	sadd.s32 s6, s30;
	s5 =	sadd.s32 s7, s30  }
0x11: {  	v0 =	vimm.f32 $-1.000000000e+09;
	s9 =	simm.s32 $0x100;
	s6 =	sadd.s32 s6, s31;
	s7 =	sadd.s32 s7, s31  }
.LBB2_1:
0x12: {  	[tilespmem:s11], [sflag:$0x1] =	stream.strided.gather [hbm4b:s3+s9], $0x400, s10, s9, $0x38;
	[tilespmem:$0x18400] =	vst v63  }
0x13: {  	s19 =	simm.s32 $0x0;
	s20 =	simm.s32 $0x400  }
0x14: {  	[tilespmem:s13], [sflag:$0x2] =	stream.strided.gather [hbm4b:s4+s12], $0x8000, s10, s12, $0x38;
	[tilespmem:$0x18400] =	vst v63  }
.LBB2_2:
0x15: {  	p0 =	sne.s32 s20, $0x3FC00;
	[tilespmem:s19+$0x70] =	vst v0  }
0x16: {  	[tilespmem:s19+$0x0] =	vst v0  }
0x17: {  	[tilespmem:s19+$0x10] =	vst v0  }
.Ltmp0:
0x18: {  	[tilespmem:s19+$0x20] =	vst v0;
	(pc) =	sbr.rel @p0 .LBB2_2-.Ltmp0, $4  }
0x19: {  	[tilespmem:s19+$0x30] =	vst v0  }
0x1a: {  	[tilespmem:s19+$0x40] =	vst v0  }
0x1b: {  	[tilespmem:s19+$0x50] =	vst v0  }
0x1c: {  	[tilespmem:s19+$0x60] =	vst v0;
	s19 =	sshra.s32 s20, $0x2;
	s20 =	sadd.s32 $0x400, s20  }
0x1d: {  	[tilespmem:s19+$0x70] =	vst v0  }
0x1e: {  	[tilespmem:s19+$0x0] =	vst v0  }
0x1f: {  	[tilespmem:s19+$0x10] =	vst v0  }
0x20: {  	[tilespmem:s19+$0x20] =	vst v0  }
0x21: {  	[tilespmem:s19+$0x30] =	vst v0  }
0x22: {  	[tilespmem:s19+$0x40] =	vst v0  }
0x23: {  	[tilespmem:s19+$0x50] =	vst v0  }
0x24: {  	[tilespmem:s19+$0x60] =	vst v0  }
0x25: {  	_ =	swait.ge [sflag:s14], $0x400  }
0x26: {  	[sflag:s14] =	ssyncset.done $0x0  }
0x27: {  	[sflag:s14] =	ssyncadd.s32 $0xFFFFFC00  }
0x28: {  	s30 =	simm.s32 $0x0;
	_ =	swait.ge [sflag:s15], $0x8000  }
0x29: {  	s20 =	sand.u32 $0x70, s30;
	s19 =	sand.u32 $0x300, s30;
	[sflag:s15] =	ssyncset.done $0x0  }
0x2a: {  	s19 =	sor.u32 s20, s19;
	[sflag:s15] =	ssyncadd.s32 $0xFFFF8000  }
0x2b: {  	v1 =	vld [tilespmem:s19+$0x18000];
	_ =	sdelay $0x7  }
0x2c: {  	v3 =	vshll.u32 v1, $0x1;
	v2 =	vld.idx.msk [tilespmem:v1+s13+$0x0], $0xffff  }
0x2d: {  	v3 =	vand.u32 $0xFFFFFF00, v3;
	v1 =	vand.u32 $0x7F, v1  }
0x2e: {  	v1 =	vor.u32 v1, v3;
	_ =	sdelay $0x2  }
0x2f: {  	s31 =	simm.s32 $0x10;
	s19 =	simm.s32 $0x20;
	vm0 =	veq.f32 v2, $0.0e+00  }
0x30: {  	s21 =	sand.u32 $0x70, s31;
	s20 =	simm.s32 $0x20;
	s22 =	sand.u32 $0x300, s19;
	v2 =	vsel vm0, $0xCE6E6B28, v2  }
.LBB2_4:
0x31: {  	p0 =	sne.s32 s20, $0x1F0;
	s21 =	sor.u32 s21, s22;
	[tilespmem:v1+s1+$0x0] =	vst.idx.msk $0xffff, v2  }
0x32: {  	v1 =	vld [tilespmem:s21+$0x18000];
	_ =	sdelay $0x7  }
0x33: {  	v2 =	vld.idx.msk [tilespmem:v1+s13+$0x0], $0xffff  }
0x34: {  	v3 =	vshll.u32 v1, $0x1  }
0x35: {  	v3 =	vand.u32 $0xFFFFFF00, v3;
	v1 =	vand.u32 $0x7F, v1  }
.Ltmp1:
0x36: {  	v1 =	vor.u32 v1, v3;
	(pc) =	sbr.rel @p0 .LBB2_4-.Ltmp1, $3  }
0x37: {  	_ =	sdelay $0x1  }
0x38: {  	s19 =	sadd.s32 $0x20, s19;
	vm0 =	veq.f32 v2, $0.0e+00  }
0x39: {  	s21 =	sand.u32 $0x70, s20;
	s22 =	sand.u32 $0x300, s19;
	s20 =	sadd.s32 $0x10, s20;
	v2 =	vsel vm0, $0xCE6E6B28, v2  }
0x3a: {  	_ =	sdelay $0x3  }
0x3b: {  	s19 =	sor.u32 s21, s22;
	[tilespmem:v1+s1+$0x0] =	vst.idx.msk $0xffff, v2  }
0x3c: {  	v1 =	vld [tilespmem:s19+$0x18000];
	_ =	sdelay $0x7  }
0x3d: {  	v3 =	vshll.u32 v1, $0x1;
	v2 =	vld.idx.msk [tilespmem:v1+s13+$0x0], $0xffff  }
0x3e: {  	v3 =	vand.u32 $0xFFFFFF00, v3;
	v1 =	vand.u32 $0x7F, v1  }
0x3f: {  	v1 =	vor.u32 v1, v3;
	_ =	sdelay $0x2  }
0x40: {  	vm0 =	veq.f32 v2, $0.0e+00  }
0x41: {  	s20 =	simm.s32 $0x80;
	v2 =	vsel vm0, $0xCE6E6B28, v2  }
0x42: {  	s22 =	sadd.s32 $0x0, s5;
	s21 =	simm.s32 $0x100;
	s19 =	simm.s32 $0x0;
	[tilespmem:v1+s1+$0x0] =	vst.idx.msk $0xffff, v2  }
.LBB2_6:
0x43: {  	[hbm4b:s22+s1] =	stream.linear.scatter [tilespmem:s19], [sflag:$0x3], $0x80, $0x38;
	[tilespmem:$0x18400] =	vst v63  }
0x44: {  	s22 =	smov.u32 s20;
	s19 =	smov.u32 s21;
	p0 =	sne.s32 s20, $0x7F80  }
.Ltmp2:
0x45: {  	s20 =	sadd.s32 $0x80, s20;
	(pc) =	sbr.rel @p0 .LBB2_6-.Ltmp2, $2  }
0x46: {  	_ =	sdelay $0x2  }
0x47: {  	s21 =	sadd.s32 $0x100, s21;
	s22 =	sadd.s32 s22, s5  }
0x48: {  	[hbm4b:s22+s1] =	stream.linear.scatter [tilespmem:s19], [sflag:$0x3], $0x80, $0x38;
	[tilespmem:$0x18400] =	vst v63  }
0x49: {  	s19 =	simm.s32 $0x0;
	s20 =	simm.s32 $0x400  }
0x4a: {  	[tilespmem:s13], [sflag:$0x2] =	stream.strided.gather [hbm4b:s6+s12], $0x8000, s10, s12, $0x38;
	[tilespmem:$0x18400] =	vst v63  }
.LBB2_8:
0x4b: {  	p0 =	sne.s32 s20, $0x3FC00;
	[tilespmem:s19+$0xF0] =	vst v0  }
0x4c: {  	[tilespmem:s19+$0x80] =	vst v0  }
0x4d: {  	[tilespmem:s19+$0x90] =	vst v0  }
.Ltmp3:
0x4e: {  	[tilespmem:s19+$0xA0] =	vst v0;
	(pc) =	sbr.rel @p0 .LBB2_8-.Ltmp3, $4  }
0x4f: {  	[tilespmem:s19+$0xB0] =	vst v0  }
0x50: {  	[tilespmem:s19+$0xC0] =	vst v0  }
0x51: {  	[tilespmem:s19+$0xD0] =	vst v0  }
0x52: {  	[tilespmem:s19+$0xE0] =	vst v0;
	s19 =	sshra.s32 s20, $0x2;
	s20 =	sadd.s32 $0x400, s20  }
0x53: {  	[tilespmem:s19+$0xF0] =	vst v0  }
0x54: {  	[tilespmem:s19+$0x80] =	vst v0  }
0x55: {  	[tilespmem:s19+$0x90] =	vst v0  }
0x56: {  	[tilespmem:s19+$0xA0] =	vst v0  }
0x57: {  	[tilespmem:s19+$0xB0] =	vst v0  }
0x58: {  	[tilespmem:s19+$0xC0] =	vst v0  }
0x59: {  	[tilespmem:s19+$0xD0] =	vst v0  }
0x5a: {  	[tilespmem:s19+$0xE0] =	vst v0  }
0x5b: {  	s30 =	simm.s32 $0x0;
	_ =	swait.ge [sflag:s15], $0x8000  }
0x5c: {  	s20 =	sand.u32 $0x70, s30;
	s19 =	sand.u32 $0x300, s30;
	[sflag:s15] =	ssyncset.done $0x0  }
0x5d: {  	s19 =	sor.u32 s20, s19;
	[sflag:s15] =	ssyncadd.s32 $0xFFFF8000  }
0x5e: {  	v1 =	vld [tilespmem:s19+$0x18080];
	_ =	sdelay $0x6  }
0x5f: {  	v3 =	vshll.u32 v1, $0x1  }
0x60: {  	v3 =	vand.u32 $0xFFFFFF00, v3;
	v2 =	vld.idx.msk [tilespmem:v1+s13+$0x0], $0xffff;
	v1 =	vand.u32 $0x7F, v1  }
0x61: {  	v1 =	vor.u32 v3, v1  }
0x62: {  	v1 =	vor.u32 $0x80, v1;
	_ =	sdelay $0x2  }
0x63: {  	s31 =	simm.s32 $0x10;
	s19 =	simm.s32 $0x20;
	vm0 =	veq.f32 v2, $0.0e+00  }
0x64: {  	s21 =	sand.u32 $0x70, s31;
	s20 =	simm.s32 $0x20;
	s22 =	sand.u32 $0x300, s19;
	v2 =	vsel vm0, $0xCE6E6B28, v2  }
.LBB2_10:
0x65: {  	p0 =	sne.s32 s20, $0x1F0;
	s21 =	sor.u32 s21, s22;
	[tilespmem:v1+s1+$0x0] =	vst.idx.msk $0xffff, v2  }
0x66: {  	v1 =	vld [tilespmem:s21+$0x18080];
	_ =	sdelay $0x7  }
0x67: {  	v3 =	vshll.u32 v1, $0x1;
	v2 =	vld.idx.msk [tilespmem:v1+s13+$0x0], $0xffff  }
0x68: {  	v3 =	vand.u32 $0xFFFFFF00, v3;
	v1 =	vand.u32 $0x7F, v1  }
0x69: {  	v1 =	vor.u32 v3, v1  }
.Ltmp4:
0x6a: {  	v1 =	vor.u32 $0x80, v1;
	(pc) =	sbr.rel @p0 .LBB2_10-.Ltmp4, $3  }
0x6b: {  	_ =	sdelay $0x1  }
0x6c: {  	s19 =	sadd.s32 $0x20, s19;
	vm0 =	veq.f32 v2, $0.0e+00  }
0x6d: {  	s21 =	sand.u32 $0x70, s20;
	s22 =	sand.u32 $0x300, s19;
	s20 =	sadd.s32 $0x10, s20;
	v2 =	vsel vm0, $0xCE6E6B28, v2  }
0x6e: {  	_ =	sdelay $0x3  }
0x6f: {  	s19 =	sor.u32 s21, s22;
	[tilespmem:v1+s1+$0x0] =	vst.idx.msk $0xffff, v2  }
0x70: {  	v1 =	vld [tilespmem:s19+$0x18080];
	_ =	sdelay $0x6  }
0x71: {  	v2 =	vshll.u32 v1, $0x1  }
0x72: {  	v2 =	vand.u32 $0xFFFFFF00, v2;
	v3 =	vld.idx.msk [tilespmem:v1+s13+$0x0], $0xffff;
	v1 =	vand.u32 $0x7F, v1  }
0x73: {  	v1 =	vor.u32 v2, v1  }
0x74: {  	v1 =	vor.u32 $0x80, v1;
	_ =	sdelay $0x2  }
0x75: {  	vm0 =	veq.f32 v3, $0.0e+00  }
0x76: {  	s20 =	simm.s32 $0x80;
	v2 =	vsel vm0, $0xCE6E6B28, v3  }
0x77: {  	s22 =	sadd.s32 $0x0, s7;
	s21 =	simm.s32 $0x180;
	s19 =	simm.s32 $0x80;
	[tilespmem:v1+s1+$0x0] =	vst.idx.msk $0xffff, v2  }
.LBB2_12:
0x78: {  	[hbm4b:s22+s1] =	stream.linear.scatter [tilespmem:s19], [sflag:$0x4], $0x80, $0x38;
	[tilespmem:$0x18400] =	vst v63  }
0x79: {  	s22 =	smov.u32 s20;
	s19 =	smov.u32 s21;
	p0 =	sne.s32 s20, $0x7F80  }
.Ltmp5:
0x7a: {  	s20 =	sadd.s32 $0x80, s20;
	(pc) =	sbr.rel @p0 .LBB2_12-.Ltmp5, $2  }
0x7b: {  	_ =	sdelay $0x2  }
0x7c: {  	s21 =	sadd.s32 $0x100, s21;
	s22 =	sadd.s32 s22, s7  }
0x7d: {  	[hbm4b:s22+s1] =	stream.linear.scatter [tilespmem:s19], [sflag:$0x4], $0x80, $0x38;
	[tilespmem:$0x18400] =	vst v63  }
0x7e: {  	s18 =	sadd.s32 $0x1, s18  }
0x7f: {  	_ =	swait.ge [sflag:s16], $0x8000;
	p0 =	sne.s32 s18, s8  }
.Ltmp6:
0x80: {  	[sflag:s16] =	ssyncset.done $0x0;
	(pc) =	sbr.rel @p0 .LBB2_1-.Ltmp6, $4  }
0x81: {  	[sflag:s16] =	ssyncadd.s32 $0xFFFF8000  }
0x82: {  	_ =	swait.ge [sflag:s17], $0x8000  }
0x83: {  	[sflag:s17] =	ssyncset.done $0x0  }
0x84: {  	[sflag:s17] =	ssyncadd.s32 $0xFFFF8000  }
0x85: {  	_ =	sfence.sel $0x180000  }
0x86: {  	[bflag:$0x0] =	sbarrier.arrive $0xFFFF  }
0x87: {  	p0 =	sne.s32 s2, $0x0;
	_ =	strace $0x90000047  }
0x88: {  	s0 =	sadd.s32 @!p0 $0x100000, s0;
	[bflag:$0x2] =	sbarrier.arrive $0xFFFF  }
0x89: {  	[sflag:s0] =	ssyncadd.tile.s32 @!p0 $0x1;
	_ =	shalt  }
.Lfunc_end2:
_tile_overlayer_lowered:
.L_overlay_start_2:
0x8a: {  	(tag) =	ssettag $0x2  }
0x8b: {  	s0 =	rddreg [dreg:$0x0];
	s2 =	stileid.u32  }
0x8c: {  	s1 =	rddreg [dreg:$0x1];
	p0 =	sne.s32 s2, $0x0  }
0x8d: {  	s3 =	rddreg [dreg:$0x2];
	[bflag:$0x3] =	sbarrier.arrive $0xFFFF;
	s2 =	simm.s32 @!p0 $0x1C05  }
0x8e: {  	[timem:s3], [sflag:s2] =	dma.local @!p0 [hbm:s0], s1  }
0x8f: {  	s0 =	simm.s32 @!p0 $0x5  }
0x90: {  	_ =	swait.ge @!p0 [sflag:s0], s1  }
0x91: {  	s1 =	ssub.s32 @!p0 $0x0, s1;
	[sflag:s0] =	ssyncset.done @!p0 $0x0  }
0x92: {  	[sflag:s0] =	ssyncadd.s32 @!p0 s1  }
0x93: {  	[bflag:$0x3] =	sbarrier.arrive $0xFFFF  }
0x94: {  	_ =	shalt  }

</sc_bundles>
